<compile_context>
chip_gen: v7x
topology: tpu7x:2x2x1
jax: 0.10.2.dev20260603
libtpu: 0.0.44.dev20260713+nightly
codegen_flags: <defaults>
</compile_context>

<pallas_src>
import functools

import jax
import jax.numpy as jnp
from jax import lax
from jax.experimental import pallas as pl
from jax.experimental.pallas import tpu as pltpu
from jax.experimental.pallas import tpu_sc as plsc

_S = 1024
_D = 128
_T = 2 * _S - 1
_R_SC = 352
_BI = 8


def _sc_part(table):
    mesh = plsc.VectorSubcoreMesh(core_axis_name="c", subcore_axis_name="s")
    rows_per_w = _R_SC // 32

    @functools.partial(
        pl.kernel,
        out_type=jax.ShapeDtypeStruct((_R_SC, _S, _D), jnp.float32),
        mesh=mesh,
        scratch_types=[pltpu.MemorySpace.VMEM_SHARED((_T, _D), jnp.float32)],
    )
    def run(table_hbm, out_hbm, shared):
        cid = lax.axis_index("c")
        sid = lax.axis_index("s")

        @pl.when(sid == 0)
        def _stage():
            pltpu.sync_copy(table_hbm, shared)

        plsc.subcore_barrier()

        wid = sid * 2 + cid
        base = wid * rows_per_w
        for r in range(rows_per_w):
            i = base + r
            start = (_S - 1) - i
            pltpu.sync_copy(shared.at[pl.ds(start, _S)], out_hbm.at[i])

    return run(table)


def _tc_body(table_ref, out_ref):
    i0 = _R_SC + pl.program_id(0) * _BI
    for k in range(_BI):
        start = (_S - 1) - (i0 + k)
        out_ref[k] = table_ref[pl.ds(start, _S), :]


def _tc_part(table):
    n = _S - _R_SC
    return pl.pallas_call(
        _tc_body,
        grid=(n // _BI,),
        in_specs=[pl.BlockSpec((_T, _D), lambda i: (0, 0))],
        out_specs=pl.BlockSpec((_BI, _S, _D), lambda i: (i, 0, 0)),
        out_shape=jax.ShapeDtypeStruct((n, _S, _D), jnp.float32),
    )(table)


def kernel(x, table):
    del x
    return jnp.concatenate([_sc_part(table), _tc_part(table)], axis=0)

# --- scband reference (transcript-rebuilt; emitter-appended) ---
"""Pipeline reference for scband-relative-positional-embedding-46497315946893 (READ-ONLY COPY).

The authoritative reference and input builder live on the scoring server;
editing this copy changes nothing except your own understanding.
"""

import jax, jax.numpy as jnp
import numpy as np

MAX_LEN = 1024
D_MODEL = 128


def setup_inputs(seed: int = 0) -> dict:
    key = jax.random.key(seed)
    k1, k2 = jax.random.split(key)
    x = jax.random.randint(k1, (16, 1024), 0, 1000, dtype=jnp.int64)
    # learned relative position embedding table: [2*max_len - 1, d_model]
    table = jax.random.normal(k2, (2 * MAX_LEN - 1, D_MODEL), dtype=jnp.float32) * 0.02
    return {"x": x, "table": table}


def reference(x, table):
    # x: int64 [B, S]; only its shape is used (matches the torch module)
    batch_size, seq_len = x.shape
    positions = jnp.arange(seq_len)[None, :]              # [1, S]
    relative_positions = positions - positions.T           # [S, S]
    relative_positions = relative_positions + (MAX_LEN - 1)  # shift to [0, 2*max_len-2]
    # embedding lookup (gather) -> [S, S, d_model]
    relative_embeddings = jnp.take(table, relative_positions, axis=0)
    return relative_embeddings


if False:  # reference __main__ guard neutralized (emitter)
    inp = setup_inputs()
    out = reference(**inp)
    print(out.shape, out.dtype)

if __name__ == "__main__":
    import jax
    _d = setup_inputs()
    print(jax.jit(kernel)(*tuple(_d.values())))

</pallas_src>

<mosaic_0001>
#map = affine_map<(d0, d1) -> (0, 0)>
#map1 = affine_map<(d0, d1) -> (0, 0, 0)>
module attributes {stable_mosaic.version = 14 : i64} {
  func.func @run(%arg0: i32, %arg1: i32, %arg2: memref<2047x128xf32, #tpu.memory_space<hbm>>, %arg3: memref<352x1024x128xf32, #tpu.memory_space<hbm>>, %arg4: memref<2047x128xf32, #tpu.memory_space<vmem_shared>>) attributes {dimension_semantics = [#tpu.dimension_semantics<core_parallel>, #tpu.dimension_semantics<subcore_parallel>], iteration_bounds = array<i64: 2, 16>, scalar_prefetch = 0 : i64, scratch_operands = 1 : i64, tpu.core_type = #tpu.core_type<sc_vector_subcore>, window_params = [{transform_indices = #map}, {transform_indices = #map1}]} {
    %eq3A = arith.constant 0 : i32
    %eq3A_0 = arith.cmpi eq, %arg1, %eq3A : i32
    %convert_element_type3A = arith.extui %eq3A_0 : i1 to i32
    %cond3A = arith.constant 0 : i32
    %cond3A_1 = arith.cmpi ne, %convert_element_type3A, %cond3A : i32
    scf.if %cond3A_1 {
      "tpu.region"() ({
        %run_scoped3A = tpu.sem_alloc : memref<!tpu.dma_semaphore, #tpu.memory_space<semaphore_mem>>
        tpu.enqueue_dma source(%arg2 : memref<2047x128xf32, #tpu.memory_space<hbm>>) target(%arg4 : memref<2047x128xf32, #tpu.memory_space<vmem_shared>>) target_semaphore(%run_scoped3A : memref<!tpu.dma_semaphore, #tpu.memory_space<semaphore_mem>>)
        tpu.wait_dma2 semaphore(%run_scoped3A : memref<!tpu.dma_semaphore, #tpu.memory_space<semaphore_mem>>) src(%arg2 : memref<2047x128xf32, #tpu.memory_space<hbm>>) dst(%arg4 : memref<2047x128xf32, #tpu.memory_space<vmem_shared>>)
        tpu.yield
      }) : () -> ()
    } else {
    }
    %barrier3A = arith.constant 0 : index
    tpu.barrier barrier_id(%barrier3A)
    %mul3A = arith.constant 2 : i32
    %mul3A_2 = arith.muli %arg1, %mul3A : i32
    %add3A = arith.addi %mul3A_2, %arg0 : i32
    %mul3A_3 = arith.constant 11 : i32
    %mul3A_4 = arith.muli %add3A, %mul3A_3 : i32
    %add3A_5 = arith.constant 0 : i32
    %add3A_6 = arith.addi %mul3A_4, %add3A_5 : i32
    %sub3A = arith.constant 1023 : i32
    %sub3A_7 = arith.subi %sub3A, %add3A_6 : i32
    "tpu.region"() ({
      %run_scoped3A = tpu.sem_alloc : memref<!tpu.dma_semaphore, #tpu.memory_space<semaphore_mem>>
      %dma_start3A = arith.constant 0 : i32
      %dma_start3A_48 = arith.constant 0 : i32
      %dma_start3A_49 = tpu.memref_slice %arg3[%add3A_6, %dma_start3A, %dma_start3A_48] : memref<352x1024x128xf32, #tpu.memory_space<hbm>> -> memref<1x1024x128xf32, #tpu.memory_space<hbm>>
      %dma_start3A_50 = tpu.memref_squeeze %dma_start3A_49 : memref<1x1024x128xf32, #tpu.memory_space<hbm>> -> memref<1024x128xf32, #tpu.memory_space<hbm>>
      %dma_start3A_51 = arith.constant 0 : i32
      %dma_start3A_52 = tpu.memref_slice %arg4[%sub3A_7, %dma_start3A_51] : memref<2047x128xf32, #tpu.memory_space<vmem_shared>> -> memref<1024x128xf32, #tpu.memory_space<vmem_shared>>
      tpu.enqueue_dma source(%dma_start3A_52 : memref<1024x128xf32, #tpu.memory_space<vmem_shared>>) target(%dma_start3A_50 : memref<1024x128xf32, #tpu.memory_space<hbm>>) target_semaphore(%run_scoped3A : memref<!tpu.dma_semaphore, #tpu.memory_space<semaphore_mem>>)
      %dma_wait3A = arith.constant 0 : i32
      %dma_wait3A_53 = arith.constant 0 : i32
      %dma_wait3A_54 = tpu.memref_slice %arg3[%add3A_6, %dma_wait3A, %dma_wait3A_53] : memref<352x1024x128xf32, #tpu.memory_space<hbm>> -> memref<1x1024x128xf32, #tpu.memory_space<hbm>>
      %dma_wait3A_55 = tpu.memref_squeeze %dma_wait3A_54 : memref<1x1024x128xf32, #tpu.memory_space<hbm>> -> memref<1024x128xf32, #tpu.memory_space<hbm>>
      %dma_wait3A_56 = arith.constant 0 : i32
      %dma_wait3A_57 = tpu.memref_slice %arg4[%sub3A_7, %dma_wait3A_56] : memref<2047x128xf32, #tpu.memory_space<vmem_shared>> -> memref<1024x128xf32, #tpu.memory_space<vmem_shared>>
      tpu.wait_dma2 semaphore(%run_scoped3A : memref<!tpu.dma_semaphore, #tpu.memory_space<semaphore_mem>>) src(%dma_wait3A_57 : memref<1024x128xf32, #tpu.memory_space<vmem_shared>>) dst(%dma_wait3A_55 : memref<1024x128xf32, #tpu.memory_space<hbm>>)
      tpu.yield
    }) : () -> ()
    %add3A_8 = arith.constant 1 : i32
    %add3A_9 = arith.addi %mul3A_4, %add3A_8 : i32
    %sub3A_10 = arith.constant 1023 : i32
    %sub3A_11 = arith.subi %sub3A_10, %add3A_9 : i32
    "tpu.region"() ({
      %run_scoped3A = tpu.sem_alloc : memref<!tpu.dma_semaphore, #tpu.memory_space<semaphore_mem>>
      %dma_start3A = arith.constant 0 : i32
      %dma_start3A_48 = arith.constant 0 : i32
      %dma_start3A_49 = tpu.memref_slice %arg3[%add3A_9, %dma_start3A, %dma_start3A_48] : memref<352x1024x128xf32, #tpu.memory_space<hbm>> -> memref<1x1024x128xf32, #tpu.memory_space<hbm>>
      %dma_start3A_50 = tpu.memref_squeeze %dma_start3A_49 : memref<1x1024x128xf32, #tpu.memory_space<hbm>> -> memref<1024x128xf32, #tpu.memory_space<hbm>>
      %dma_start3A_51 = arith.constant 0 : i32
      %dma_start3A_52 = tpu.memref_slice %arg4[%sub3A_11, %dma_start3A_51] : memref<2047x128xf32, #tpu.memory_space<vmem_shared>> -> memref<1024x128xf32, #tpu.memory_space<vmem_shared>>
      tpu.enqueue_dma source(%dma_start3A_52 : memref<1024x128xf32, #tpu.memory_space<vmem_shared>>) target(%dma_start3A_50 : memref<1024x128xf32, #tpu.memory_space<hbm>>) target_semaphore(%run_scoped3A : memref<!tpu.dma_semaphore, #tpu.memory_space<semaphore_mem>>)
      %dma_wait3A = arith.constant 0 : i32
      %dma_wait3A_53 = arith.constant 0 : i32
      %dma_wait3A_54 = tpu.memref_slice %arg3[%add3A_9, %dma_wait3A, %dma_wait3A_53] : memref<352x1024x128xf32, #tpu.memory_space<hbm>> -> memref<1x1024x128xf32, #tpu.memory_space<hbm>>
      %dma_wait3A_55 = tpu.memref_squeeze %dma_wait3A_54 : memref<1x1024x128xf32, #tpu.memory_space<hbm>> -> memref<1024x128xf32, #tpu.memory_space<hbm>>
      %dma_wait3A_56 = arith.constant 0 : i32
      %dma_wait3A_57 = tpu.memref_slice %arg4[%sub3A_11, %dma_wait3A_56] : memref<2047x128xf32, #tpu.memory_space<vmem_shared>> -> memref<1024x128xf32, #tpu.memory_space<vmem_shared>>
      tpu.wait_dma2 semaphore(%run_scoped3A : memref<!tpu.dma_semaphore, #tpu.memory_space<semaphore_mem>>) src(%dma_wait3A_57 : memref<1024x128xf32, #tpu.memory_space<vmem_shared>>) dst(%dma_wait3A_55 : memref<1024x128xf32, #tpu.memory_space<hbm>>)
      tpu.yield
    }) : () -> ()
    %add3A_12 = arith.constant 2 : i32
    %add3A_13 = arith.addi %mul3A_4, %add3A_12 : i32
    %sub3A_14 = arith.constant 1023 : i32
    %sub3A_15 = arith.subi %sub3A_14, %add3A_13 : i32
    "tpu.region"() ({
      %run_scoped3A = tpu.sem_alloc : memref<!tpu.dma_semaphore, #tpu.memory_space<semaphore_mem>>
      %dma_start3A = arith.constant 0 : i32
      %dma_start3A_48 = arith.constant 0 : i32
      %dma_start3A_49 = tpu.memref_slice %arg3[%add3A_13, %dma_start3A, %dma_start3A_48] : memref<352x1024x128xf32, #tpu.memory_space<hbm>> -> memref<1x1024x128xf32, #tpu.memory_space<hbm>>
      %dma_start3A_50 = tpu.memref_squeeze %dma_start3A_49 : memref<1x1024x128xf32, #tpu.memory_space<hbm>> -> memref<1024x128xf32, #tpu.memory_space<hbm>>
      %dma_start3A_51 = arith.constant 0 : i32
      %dma_start3A_52 = tpu.memref_slice %arg4[%sub3A_15, %dma_start3A_51] : memref<2047x128xf32, #tpu.memory_space<vmem_shared>> -> memref<1024x128xf32, #tpu.memory_space<vmem_shared>>
      tpu.enqueue_dma source(%dma_start3A_52 : memref<1024x128xf32, #tpu.memory_space<vmem_shared>>) target(%dma_start3A_50 : memref<1024x128xf32, #tpu.memory_space<hbm>>) target_semaphore(%run_scoped3A : memref<!tpu.dma_semaphore, #tpu.memory_space<semaphore_mem>>)
      %dma_wait3A = arith.constant 0 : i32
      %dma_wait3A_53 = arith.constant 0 : i32
      %dma_wait3A_54 = tpu.memref_slice %arg3[%add3A_13, %dma_wait3A, %dma_wait3A_53] : memref<352x1024x128xf32, #tpu.memory_space<hbm>> -> memref<1x1024x128xf32, #tpu.memory_space<hbm>>
      %dma_wait3A_55 = tpu.memref_squeeze %dma_wait3A_54 : memref<1x1024x128xf32, #tpu.memory_space<hbm>> -> memref<1024x128xf32, #tpu.memory_space<hbm>>
      %dma_wait3A_56 = arith.constant 0 : i32
      %dma_wait3A_57 = tpu.memref_slice %arg4[%sub3A_15, %dma_wait3A_56] : memref<2047x128xf32, #tpu.memory_space<vmem_shared>> -> memref<1024x128xf32, #tpu.memory_space<vmem_shared>>
      tpu.wait_dma2 semaphore(%run_scoped3A : memref<!tpu.dma_semaphore, #tpu.memory_space<semaphore_mem>>) src(%dma_wait3A_57 : memref<1024x128xf32, #tpu.memory_space<vmem_shared>>) dst(%dma_wait3A_55 : memref<1024x128xf32, #tpu.memory_space<hbm>>)
      tpu.yield
    }) : () -> ()
    %add3A_16 = arith.constant 3 : i32
    %add3A_17 = arith.addi %mul3A_4, %add3A_16 : i32
    %sub3A_18 = arith.constant 1023 : i32
    %sub3A_19 = arith.subi %sub3A_18, %add3A_17 : i32
    "tpu.region"() ({
      %run_scoped3A = tpu.sem_alloc : memref<!tpu.dma_semaphore, #tpu.memory_space<semaphore_mem>>
      %dma_start3A = arith.constant 0 : i32
      %dma_start3A_48 = arith.constant 0 : i32
      %dma_start3A_49 = tpu.memref_slice %arg3[%add3A_17, %dma_start3A, %dma_start3A_48] : memref<352x1024x128xf32, #tpu.memory_space<hbm>> -> memref<1x1024x128xf32, #tpu.memory_space<hbm>>
      %dma_start3A_50 = tpu.memref_squeeze %dma_start3A_49 : memref<1x1024x128xf32, #tpu.memory_space<hbm>> -> memref<1024x128xf32, #tpu.memory_space<hbm>>
      %dma_start3A_51 = arith.constant 0 : i32
      %dma_start3A_52 = tpu.memref_slice %arg4[%sub3A_19, %dma_start3A_51] : memref<2047x128xf32, #tpu.memory_space<vmem_shared>> -> memref<1024x128xf32, #tpu.memory_space<vmem_shared>>
      tpu.enqueue_dma source(%dma_start3A_52 : memref<1024x128xf32, #tpu.memory_space<vmem_shared>>) target(%dma_start3A_50 : memref<1024x128xf32, #tpu.memory_space<hbm>>) target_semaphore(%run_scoped3A : memref<!tpu.dma_semaphore, #tpu.memory_space<semaphore_mem>>)
      %dma_wait3A = arith.constant 0 : i32
      %dma_wait3A_53 = arith.constant 0 : i32
      %dma_wait3A_54 = tpu.memref_slice %arg3[%add3A_17, %dma_wait3A, %dma_wait3A_53] : memref<352x1024x128xf32, #tpu.memory_space<hbm>> -> memref<1x1024x128xf32, #tpu.memory_space<hbm>>
      %dma_wait3A_55 = tpu.memref_squeeze %dma_wait3A_54 : memref<1x1024x128xf32, #tpu.memory_space<hbm>> -> memref<1024x128xf32, #tpu.memory_space<hbm>>
      %dma_wait3A_56 = arith.constant 0 : i32
      %dma_wait3A_57 = tpu.memref_slice %arg4[%sub3A_19, %dma_wait3A_56] : memref<2047x128xf32, #tpu.memory_space<vmem_shared>> -> memref<1024x128xf32, #tpu.memory_space<vmem_shared>>
      tpu.wait_dma2 semaphore(%run_scoped3A : memref<!tpu.dma_semaphore, #tpu.memory_space<semaphore_mem>>) src(%dma_wait3A_57 : memref<1024x128xf32, #tpu.memory_space<vmem_shared>>) dst(%dma_wait3A_55 : memref<1024x128xf32, #tpu.memory_space<hbm>>)
      tpu.yield
    }) : () -> ()
    %add3A_20 = arith.constant 4 : i32
    %add3A_21 = arith.addi %mul3A_4, %add3A_20 : i32
    %sub3A_22 = arith.constant 1023 : i32
    %sub3A_23 = arith.subi %sub3A_22, %add3A_21 : i32
    "tpu.region"() ({
      %run_scoped3A = tpu.sem_alloc : memref<!tpu.dma_semaphore, #tpu.memory_space<semaphore_mem>>
      %dma_start3A = arith.constant 0 : i32
      %dma_start3A_48 = arith.constant 0 : i32
      %dma_start3A_49 = tpu.memref_slice %arg3[%add3A_21, %dma_start3A, %dma_start3A_48] : memref<352x1024x128xf32, #tpu.memory_space<hbm>> -> memref<1x1024x128xf32, #tpu.memory_space<hbm>>
      %dma_start3A_50 = tpu.memref_squeeze %dma_start3A_49 : memref<1x1024x128xf32, #tpu.memory_space<hbm>> -> memref<1024x128xf32, #tpu.memory_space<hbm>>
      %dma_start3A_51 = arith.constant 0 : i32
      %dma_start3A_52 = tpu.memref_slice %arg4[%sub3A_23, %dma_start3A_51] : memref<2047x128xf32, #tpu.memory_space<vmem_shared>> -> memref<1024x128xf32, #tpu.memory_space<vmem_shared>>
      tpu.enqueue_dma source(%dma_start3A_52 : memref<1024x128xf32, #tpu.memory_space<vmem_shared>>) target(%dma_start3A_50 : memref<1024x128xf32, #tpu.memory_space<hbm>>) target_semaphore(%run_scoped3A : memref<!tpu.dma_semaphore, #tpu.memory_space<semaphore_mem>>)
      %dma_wait3A = arith.constant 0 : i32
      %dma_wait3A_53 = arith.constant 0 : i32
      %dma_wait3A_54 = tpu.memref_slice %arg3[%add3A_21, %dma_wait3A, %dma_wait3A_53] : memref<352x1024x128xf32, #tpu.memory_space<hbm>> -> memref<1x1024x128xf32, #tpu.memory_space<hbm>>
      %dma_wait3A_55 = tpu.memref_squeeze %dma_wait3A_54 : memref<1x1024x128xf32, #tpu.memory_space<hbm>> -> memref<1024x128xf32, #tpu.memory_space<hbm>>
      %dma_wait3A_56 = arith.constant 0 : i32
      %dma_wait3A_57 = tpu.memref_slice %arg4[%sub3A_23, %dma_wait3A_56] : memref<2047x128xf32, #tpu.memory_space<vmem_shared>> -> memref<1024x128xf32, #tpu.memory_space<vmem_shared>>
      tpu.wait_dma2 semaphore(%run_scoped3A : memref<!tpu.dma_semaphore, #tpu.memory_space<semaphore_mem>>) src(%dma_wait3A_57 : memref<1024x128xf32, #tpu.memory_space<vmem_shared>>) dst(%dma_wait3A_55 : memref<1024x128xf32, #tpu.memory_space<hbm>>)
      tpu.yield
    }) : () -> ()
    %add3A_24 = arith.constant 5 : i32
    %add3A_25 = arith.addi %mul3A_4, %add3A_24 : i32
    %sub3A_26 = arith.constant 1023 : i32
    %sub3A_27 = arith.subi %sub3A_26, %add3A_25 : i32
    "tpu.region"() ({
      %run_scoped3A = tpu.sem_alloc : memref<!tpu.dma_semaphore, #tpu.memory_space<semaphore_mem>>
      %dma_start3A = arith.constant 0 : i32
      %dma_start3A_48 = arith.constant 0 : i32
      %dma_start3A_49 = tpu.memref_slice %arg3[%add3A_25, %dma_start3A, %dma_start3A_48] : memref<352x1024x128xf32, #tpu.memory_space<hbm>> -> memref<1x1024x128xf32, #tpu.memory_space<hbm>>
      %dma_start3A_50 = tpu.memref_squeeze %dma_start3A_49 : memref<1x1024x128xf32, #tpu.memory_space<hbm>> -> memref<1024x128xf32, #tpu.memory_space<hbm>>
      %dma_start3A_51 = arith.constant 0 : i32
      %dma_start3A_52 = tpu.memref_slice %arg4[%sub3A_27, %dma_start3A_51] : memref<2047x128xf32, #tpu.memory_space<vmem_shared>> -> memref<1024x128xf32, #tpu.memory_space<vmem_shared>>
      tpu.enqueue_dma source(%dma_start3A_52 : memref<1024x128xf32, #tpu.memory_space<vmem_shared>>) target(%dma_start3A_50 : memref<1024x128xf32, #tpu.memory_space<hbm>>) target_semaphore(%run_scoped3A : memref<!tpu.dma_semaphore, #tpu.memory_space<semaphore_mem>>)
      %dma_wait3A = arith.constant 0 : i32
      %dma_wait3A_53 = arith.constant 0 : i32
      %dma_wait3A_54 = tpu.memref_slice %arg3[%add3A_25, %dma_wait3A, %dma_wait3A_53] : memref<352x1024x128xf32, #tpu.memory_space<hbm>> -> memref<1x1024x128xf32, #tpu.memory_space<hbm>>
      %dma_wait3A_55 = tpu.memref_squeeze %dma_wait3A_54 : memref<1x1024x128xf32, #tpu.memory_space<hbm>> -> memref<1024x128xf32, #tpu.memory_space<hbm>>
      %dma_wait3A_56 = arith.constant 0 : i32
      %dma_wait3A_57 = tpu.memref_slice %arg4[%sub3A_27, %dma_wait3A_56] : memref<2047x128xf32, #tpu.memory_space<vmem_shared>> -> memref<1024x128xf32, #tpu.memory_space<vmem_shared>>
      tpu.wait_dma2 semaphore(%run_scoped3A : memref<!tpu.dma_semaphore, #tpu.memory_space<semaphore_mem>>) src(%dma_wait3A_57 : memref<1024x128xf32, #tpu.memory_space<vmem_shared>>) dst(%dma_wait3A_55 : memref<1024x128xf32, #tpu.memory_space<hbm>>)
      tpu.yield
    }) : () -> ()
    %add3A_28 = arith.constant 6 : i32
    %add3A_29 = arith.addi %mul3A_4, %add3A_28 : i32
    %sub3A_30 = arith.constant 1023 : i32
    %sub3A_31 = arith.subi %sub3A_30, %add3A_29 : i32
    "tpu.region"() ({
      %run_scoped3A = tpu.sem_alloc : memref<!tpu.dma_semaphore, #tpu.memory_space<semaphore_mem>>
      %dma_start3A = arith.constant 0 : i32
      %dma_start3A_48 = arith.constant 0 : i32
      %dma_start3A_49 = tpu.memref_slice %arg3[%add3A_29, %dma_start3A, %dma_start3A_48] : memref<352x1024x128xf32, #tpu.memory_space<hbm>> -> memref<1x1024x128xf32, #tpu.memory_space<hbm>>
      %dma_start3A_50 = tpu.memref_squeeze %dma_start3A_49 : memref<1x1024x128xf32, #tpu.memory_space<hbm>> -> memref<1024x128xf32, #tpu.memory_space<hbm>>
      %dma_start3A_51 = arith.constant 0 : i32
      %dma_start3A_52 = tpu.memref_slice %arg4[%sub3A_31, %dma_start3A_51] : memref<2047x128xf32, #tpu.memory_space<vmem_shared>> -> memref<1024x128xf32, #tpu.memory_space<vmem_shared>>
      tpu.enqueue_dma source(%dma_start3A_52 : memref<1024x128xf32, #tpu.memory_space<vmem_shared>>) target(%dma_start3A_50 : memref<1024x128xf32, #tpu.memory_space<hbm>>) target_semaphore(%run_scoped3A : memref<!tpu.dma_semaphore, #tpu.memory_space<semaphore_mem>>)
      %dma_wait3A = arith.constant 0 : i32
      %dma_wait3A_53 = arith.constant 0 : i32
      %dma_wait3A_54 = tpu.memref_slice %arg3[%add3A_29, %dma_wait3A, %dma_wait3A_53] : memref<352x1024x128xf32, #tpu.memory_space<hbm>> -> memref<1x1024x128xf32, #tpu.memory_space<hbm>>
      %dma_wait3A_55 = tpu.memref_squeeze %dma_wait3A_54 : memref<1x1024x128xf32, #tpu.memory_space<hbm>> -> memref<1024x128xf32, #tpu.memory_space<hbm>>
      %dma_wait3A_56 = arith.constant 0 : i32
      %dma_wait3A_57 = tpu.memref_slice %arg4[%sub3A_31, %dma_wait3A_56] : memref<2047x128xf32, #tpu.memory_space<vmem_shared>> -> memref<1024x128xf32, #tpu.memory_space<vmem_shared>>
      tpu.wait_dma2 semaphore(%run_scoped3A : memref<!tpu.dma_semaphore, #tpu.memory_space<semaphore_mem>>) src(%dma_wait3A_57 : memref<1024x128xf32, #tpu.memory_space<vmem_shared>>) dst(%dma_wait3A_55 : memref<1024x128xf32, #tpu.memory_space<hbm>>)
      tpu.yield
    }) : () -> ()
    %add3A_32 = arith.constant 7 : i32
    %add3A_33 = arith.addi %mul3A_4, %add3A_32 : i32
    %sub3A_34 = arith.constant 1023 : i32
    %sub3A_35 = arith.subi %sub3A_34, %add3A_33 : i32
    "tpu.region"() ({
      %run_scoped3A = tpu.sem_alloc : memref<!tpu.dma_semaphore, #tpu.memory_space<semaphore_mem>>
      %dma_start3A = arith.constant 0 : i32
      %dma_start3A_48 = arith.constant 0 : i32
      %dma_start3A_49 = tpu.memref_slice %arg3[%add3A_33, %dma_start3A, %dma_start3A_48] : memref<352x1024x128xf32, #tpu.memory_space<hbm>> -> memref<1x1024x128xf32, #tpu.memory_space<hbm>>
      %dma_start3A_50 = tpu.memref_squeeze %dma_start3A_49 : memref<1x1024x128xf32, #tpu.memory_space<hbm>> -> memref<1024x128xf32, #tpu.memory_space<hbm>>
      %dma_start3A_51 = arith.constant 0 : i32
      %dma_start3A_52 = tpu.memref_slice %arg4[%sub3A_35, %dma_start3A_51] : memref<2047x128xf32, #tpu.memory_space<vmem_shared>> -> memref<1024x128xf32, #tpu.memory_space<vmem_shared>>
      tpu.enqueue_dma source(%dma_start3A_52 : memref<1024x128xf32, #tpu.memory_space<vmem_shared>>) target(%dma_start3A_50 : memref<1024x128xf32, #tpu.memory_space<hbm>>) target_semaphore(%run_scoped3A : memref<!tpu.dma_semaphore, #tpu.memory_space<semaphore_mem>>)
      %dma_wait3A = arith.constant 0 : i32
      %dma_wait3A_53 = arith.constant 0 : i32
      %dma_wait3A_54 = tpu.memref_slice %arg3[%add3A_33, %dma_wait3A, %dma_wait3A_53] : memref<352x1024x128xf32, #tpu.memory_space<hbm>> -> memref<1x1024x128xf32, #tpu.memory_space<hbm>>
      %dma_wait3A_55 = tpu.memref_squeeze %dma_wait3A_54 : memref<1x1024x128xf32, #tpu.memory_space<hbm>> -> memref<1024x128xf32, #tpu.memory_space<hbm>>
      %dma_wait3A_56 = arith.constant 0 : i32
      %dma_wait3A_57 = tpu.memref_slice %arg4[%sub3A_35, %dma_wait3A_56] : memref<2047x128xf32, #tpu.memory_space<vmem_shared>> -> memref<1024x128xf32, #tpu.memory_space<vmem_shared>>
      tpu.wait_dma2 semaphore(%run_scoped3A : memref<!tpu.dma_semaphore, #tpu.memory_space<semaphore_mem>>) src(%dma_wait3A_57 : memref<1024x128xf32, #tpu.memory_space<vmem_shared>>) dst(%dma_wait3A_55 : memref<1024x128xf32, #tpu.memory_space<hbm>>)
      tpu.yield
    }) : () -> ()
    %add3A_36 = arith.constant 8 : i32
    %add3A_37 = arith.addi %mul3A_4, %add3A_36 : i32
    %sub3A_38 = arith.constant 1023 : i32
    %sub3A_39 = arith.subi %sub3A_38, %add3A_37 : i32
    "tpu.region"() ({
      %run_scoped3A = tpu.sem_alloc : memref<!tpu.dma_semaphore, #tpu.memory_space<semaphore_mem>>
      %dma_start3A = arith.constant 0 : i32
      %dma_start3A_48 = arith.constant 0 : i32
      %dma_start3A_49 = tpu.memref_slice %arg3[%add3A_37, %dma_start3A, %dma_start3A_48] : memref<352x1024x128xf32, #tpu.memory_space<hbm>> -> memref<1x1024x128xf32, #tpu.memory_space<hbm>>
      %dma_start3A_50 = tpu.memref_squeeze %dma_start3A_49 : memref<1x1024x128xf32, #tpu.memory_space<hbm>> -> memref<1024x128xf32, #tpu.memory_space<hbm>>
      %dma_start3A_51 = arith.constant 0 : i32
      %dma_start3A_52 = tpu.memref_slice %arg4[%sub3A_39, %dma_start3A_51] : memref<2047x128xf32, #tpu.memory_space<vmem_shared>> -> memref<1024x128xf32, #tpu.memory_space<vmem_shared>>
      tpu.enqueue_dma source(%dma_start3A_52 : memref<1024x128xf32, #tpu.memory_space<vmem_shared>>) target(%dma_start3A_50 : memref<1024x128xf32, #tpu.memory_space<hbm>>) target_semaphore(%run_scoped3A : memref<!tpu.dma_semaphore, #tpu.memory_space<semaphore_mem>>)
      %dma_wait3A = arith.constant 0 : i32
      %dma_wait3A_53 = arith.constant 0 : i32
      %dma_wait3A_54 = tpu.memref_slice %arg3[%add3A_37, %dma_wait3A, %dma_wait3A_53] : memref<352x1024x128xf32, #tpu.memory_space<hbm>> -> memref<1x1024x128xf32, #tpu.memory_space<hbm>>
      %dma_wait3A_55 = tpu.memref_squeeze %dma_wait3A_54 : memref<1x1024x128xf32, #tpu.memory_space<hbm>> -> memref<1024x128xf32, #tpu.memory_space<hbm>>
      %dma_wait3A_56 = arith.constant 0 : i32
      %dma_wait3A_57 = tpu.memref_slice %arg4[%sub3A_39, %dma_wait3A_56] : memref<2047x128xf32, #tpu.memory_space<vmem_shared>> -> memref<1024x128xf32, #tpu.memory_space<vmem_shared>>
      tpu.wait_dma2 semaphore(%run_scoped3A : memref<!tpu.dma_semaphore, #tpu.memory_space<semaphore_mem>>) src(%dma_wait3A_57 : memref<1024x128xf32, #tpu.memory_space<vmem_shared>>) dst(%dma_wait3A_55 : memref<1024x128xf32, #tpu.memory_space<hbm>>)
      tpu.yield
    }) : () -> ()
    %add3A_40 = arith.constant 9 : i32
    %add3A_41 = arith.addi %mul3A_4, %add3A_40 : i32
    %sub3A_42 = arith.constant 1023 : i32
    %sub3A_43 = arith.subi %sub3A_42, %add3A_41 : i32
    "tpu.region"() ({
      %run_scoped3A = tpu.sem_alloc : memref<!tpu.dma_semaphore, #tpu.memory_space<semaphore_mem>>
      %dma_start3A = arith.constant 0 : i32
      %dma_start3A_48 = arith.constant 0 : i32
      %dma_start3A_49 = tpu.memref_slice %arg3[%add3A_41, %dma_start3A, %dma_start3A_48] : memref<352x1024x128xf32, #tpu.memory_space<hbm>> -> memref<1x1024x128xf32, #tpu.memory_space<hbm>>
      %dma_start3A_50 = tpu.memref_squeeze %dma_start3A_49 : memref<1x1024x128xf32, #tpu.memory_space<hbm>> -> memref<1024x128xf32, #tpu.memory_space<hbm>>
      %dma_start3A_51 = arith.constant 0 : i32
      %dma_start3A_52 = tpu.memref_slice %arg4[%sub3A_43, %dma_start3A_51] : memref<2047x128xf32, #tpu.memory_space<vmem_shared>> -> memref<1024x128xf32, #tpu.memory_space<vmem_shared>>
      tpu.enqueue_dma source(%dma_start3A_52 : memref<1024x128xf32, #tpu.memory_space<vmem_shared>>) target(%dma_start3A_50 : memref<1024x128xf32, #tpu.memory_space<hbm>>) target_semaphore(%run_scoped3A : memref<!tpu.dma_semaphore, #tpu.memory_space<semaphore_mem>>)
      %dma_wait3A = arith.constant 0 : i32
      %dma_wait3A_53 = arith.constant 0 : i32
      %dma_wait3A_54 = tpu.memref_slice %arg3[%add3A_41, %dma_wait3A, %dma_wait3A_53] : memref<352x1024x128xf32, #tpu.memory_space<hbm>> -> memref<1x1024x128xf32, #tpu.memory_space<hbm>>
      %dma_wait3A_55 = tpu.memref_squeeze %dma_wait3A_54 : memref<1x1024x128xf32, #tpu.memory_space<hbm>> -> memref<1024x128xf32, #tpu.memory_space<hbm>>
      %dma_wait3A_56 = arith.constant 0 : i32
      %dma_wait3A_57 = tpu.memref_slice %arg4[%sub3A_43, %dma_wait3A_56] : memref<2047x128xf32, #tpu.memory_space<vmem_shared>> -> memref<1024x128xf32, #tpu.memory_space<vmem_shared>>
      tpu.wait_dma2 semaphore(%run_scoped3A : memref<!tpu.dma_semaphore, #tpu.memory_space<semaphore_mem>>) src(%dma_wait3A_57 : memref<1024x128xf32, #tpu.memory_space<vmem_shared>>) dst(%dma_wait3A_55 : memref<1024x128xf32, #tpu.memory_space<hbm>>)
      tpu.yield
    }) : () -> ()
    %add3A_44 = arith.constant 10 : i32
    %add3A_45 = arith.addi %mul3A_4, %add3A_44 : i32
    %sub3A_46 = arith.constant 1023 : i32
    %sub3A_47 = arith.subi %sub3A_46, %add3A_45 : i32
    "tpu.region"() ({
      %run_scoped3A = tpu.sem_alloc : memref<!tpu.dma_semaphore, #tpu.memory_space<semaphore_mem>>
      %dma_start3A = arith.constant 0 : i32
      %dma_start3A_48 = arith.constant 0 : i32
      %dma_start3A_49 = tpu.memref_slice %arg3[%add3A_45, %dma_start3A, %dma_start3A_48] : memref<352x1024x128xf32, #tpu.memory_space<hbm>> -> memref<1x1024x128xf32, #tpu.memory_space<hbm>>
      %dma_start3A_50 = tpu.memref_squeeze %dma_start3A_49 : memref<1x1024x128xf32, #tpu.memory_space<hbm>> -> memref<1024x128xf32, #tpu.memory_space<hbm>>
      %dma_start3A_51 = arith.constant 0 : i32
      %dma_start3A_52 = tpu.memref_slice %arg4[%sub3A_47, %dma_start3A_51] : memref<2047x128xf32, #tpu.memory_space<vmem_shared>> -> memref<1024x128xf32, #tpu.memory_space<vmem_shared>>
      tpu.enqueue_dma source(%dma_start3A_52 : memref<1024x128xf32, #tpu.memory_space<vmem_shared>>) target(%dma_start3A_50 : memref<1024x128xf32, #tpu.memory_space<hbm>>) target_semaphore(%run_scoped3A : memref<!tpu.dma_semaphore, #tpu.memory_space<semaphore_mem>>)
      %dma_wait3A = arith.constant 0 : i32
      %dma_wait3A_53 = arith.constant 0 : i32
      %dma_wait3A_54 = tpu.memref_slice %arg3[%add3A_45, %dma_wait3A, %dma_wait3A_53] : memref<352x1024x128xf32, #tpu.memory_space<hbm>> -> memref<1x1024x128xf32, #tpu.memory_space<hbm>>
      %dma_wait3A_55 = tpu.memref_squeeze %dma_wait3A_54 : memref<1x1024x128xf32, #tpu.memory_space<hbm>> -> memref<1024x128xf32, #tpu.memory_space<hbm>>
      %dma_wait3A_56 = arith.constant 0 : i32
      %dma_wait3A_57 = tpu.memref_slice %arg4[%sub3A_47, %dma_wait3A_56] : memref<2047x128xf32, #tpu.memory_space<vmem_shared>> -> memref<1024x128xf32, #tpu.memory_space<vmem_shared>>
      tpu.wait_dma2 semaphore(%run_scoped3A : memref<!tpu.dma_semaphore, #tpu.memory_space<semaphore_mem>>) src(%dma_wait3A_57 : memref<1024x128xf32, #tpu.memory_space<vmem_shared>>) dst(%dma_wait3A_55 : memref<1024x128xf32, #tpu.memory_space<hbm>>)
      tpu.yield
    }) : () -> ()
    return
  }
}

module attributes {stable_mosaic.version = 14 : i64} {
  func.func @_tc_body(%arg0: i32, %arg1: memref<2047x128xf32, #tpu.memory_space<vmem>>, %arg2: memref<8x1024x128xf32, #tpu.memory_space<vmem>>) attributes {dimension_semantics = [#tpu.dimension_semantics<arbitrary>], iteration_bounds = array<i64: 84>, scalar_prefetch = 0 : i64, scratch_operands = 0 : i64, tpu.core_type = #tpu.core_type<tc>, window_params = [{pipeline_mode = #tpu.pipeline_mode<synchronous>, transform_indices = @transform_0, window_bounds = array<i64: 2047, 128>}, {transform_indices = @transform_1, window_bounds = array<i64: 8, 1024, 128>}]} {
    %mul3A = arith.constant 8 : i32
    %mul3A_0 = arith.muli %arg0, %mul3A : i32
    %add3A = arith.constant 352 : i32
    %add3A_1 = arith.addi %add3A, %mul3A_0 : i32
    %add3A_2 = arith.constant 0 : i32
    %add3A_3 = arith.addi %add3A_1, %add3A_2 : i32
    %sub3A = arith.constant 1023 : i32
    %sub3A_4 = arith.subi %sub3A, %add3A_3 : i32
    %get3A = arith.index_cast %sub3A_4 : i32 to index
    %get3A_5 = arith.constant 0 : index
    %get3A_6 = vector.load %arg1[%get3A, %get3A_5] : memref<2047x128xf32, #tpu.memory_space<vmem>>, vector<1024x128xf32>
    %swap3A = arith.constant 0 : index
    %swap3A_7 = arith.constant 0 : index
    %swap3A_8 = arith.constant 0 : index
    %swap3A_9 = vector.load %arg2[%swap3A, %swap3A_7, %swap3A_8] : memref<8x1024x128xf32, #tpu.memory_space<vmem>>, vector<1x1024x128xf32>
    %swap3A_10 = vector.shape_cast %swap3A_9 : vector<1x1024x128xf32> to vector<1024x128xf32>
    %swap3A_11 = vector.shape_cast %get3A_6 : vector<1024x128xf32> to vector<1x1024x128xf32>
    tpu.vector_store %arg2[%swap3A, %swap3A_7, %swap3A_8], %swap3A_11 {strides = array<i32>} : memref<8x1024x128xf32, #tpu.memory_space<vmem>>, vector<1x1024x128xf32>,
    %add3A_12 = arith.constant 1 : i32
    %add3A_13 = arith.addi %add3A_1, %add3A_12 : i32
    %sub3A_14 = arith.constant 1023 : i32
    %sub3A_15 = arith.subi %sub3A_14, %add3A_13 : i32
    %get3A_16 = arith.index_cast %sub3A_15 : i32 to index
    %get3A_17 = arith.constant 0 : index
    %get3A_18 = vector.load %arg1[%get3A_16, %get3A_17] : memref<2047x128xf32, #tpu.memory_space<vmem>>, vector<1024x128xf32>
    %swap3A_19 = arith.constant 1 : index
    %swap3A_20 = arith.constant 0 : index
    %swap3A_21 = arith.constant 0 : index
    %swap3A_22 = vector.load %arg2[%swap3A_19, %swap3A_20, %swap3A_21] : memref<8x1024x128xf32, #tpu.memory_space<vmem>>, vector<1x1024x128xf32>
    %swap3A_23 = vector.shape_cast %swap3A_22 : vector<1x1024x128xf32> to vector<1024x128xf32>
    %swap3A_24 = vector.shape_cast %get3A_18 : vector<1024x128xf32> to vector<1x1024x128xf32>
    tpu.vector_store %arg2[%swap3A_19, %swap3A_20, %swap3A_21], %swap3A_24 {strides = array<i32>} : memref<8x1024x128xf32, #tpu.memory_space<vmem>>, vector<1x1024x128xf32>,
    %add3A_25 = arith.constant 2 : i32
    %add3A_26 = arith.addi %add3A_1, %add3A_25 : i32
    %sub3A_27 = arith.constant 1023 : i32
    %sub3A_28 = arith.subi %sub3A_27, %add3A_26 : i32
    %get3A_29 = arith.index_cast %sub3A_28 : i32 to index
    %get3A_30 = arith.constant 0 : index
    %get3A_31 = vector.load %arg1[%get3A_29, %get3A_30] : memref<2047x128xf32, #tpu.memory_space<vmem>>, vector<1024x128xf32>
    %swap3A_32 = arith.constant 2 : index
    %swap3A_33 = arith.constant 0 : index
    %swap3A_34 = arith.constant 0 : index
    %swap3A_35 = vector.load %arg2[%swap3A_32, %swap3A_33, %swap3A_34] : memref<8x1024x128xf32, #tpu.memory_space<vmem>>, vector<1x1024x128xf32>
    %swap3A_36 = vector.shape_cast %swap3A_35 : vector<1x1024x128xf32> to vector<1024x128xf32>
    %swap3A_37 = vector.shape_cast %get3A_31 : vector<1024x128xf32> to vector<1x1024x128xf32>
    tpu.vector_store %arg2[%swap3A_32, %swap3A_33, %swap3A_34], %swap3A_37 {strides = array<i32>} : memref<8x1024x128xf32, #tpu.memory_space<vmem>>, vector<1x1024x128xf32>,
    %add3A_38 = arith.constant 3 : i32
    %add3A_39 = arith.addi %add3A_1, %add3A_38 : i32
    %sub3A_40 = arith.constant 1023 : i32
    %sub3A_41 = arith.subi %sub3A_40, %add3A_39 : i32
    %get3A_42 = arith.index_cast %sub3A_41 : i32 to index
    %get3A_43 = arith.constant 0 : index
    %get3A_44 = vector.load %arg1[%get3A_42, %get3A_43] : memref<2047x128xf32, #tpu.memory_space<vmem>>, vector<1024x128xf32>
    %swap3A_45 = arith.constant 3 : index
    %swap3A_46 = arith.constant 0 : index
    %swap3A_47 = arith.constant 0 : index
    %swap3A_48 = vector.load %arg2[%swap3A_45, %swap3A_46, %swap3A_47] : memref<8x1024x128xf32, #tpu.memory_space<vmem>>, vector<1x1024x128xf32>
    %swap3A_49 = vector.shape_cast %swap3A_48 : vector<1x1024x128xf32> to vector<1024x128xf32>
    %swap3A_50 = vector.shape_cast %get3A_44 : vector<1024x128xf32> to vector<1x1024x128xf32>
    tpu.vector_store %arg2[%swap3A_45, %swap3A_46, %swap3A_47], %swap3A_50 {strides = array<i32>} : memref<8x1024x128xf32, #tpu.memory_space<vmem>>, vector<1x1024x128xf32>,
    %add3A_51 = arith.constant 4 : i32
    %add3A_52 = arith.addi %add3A_1, %add3A_51 : i32
    %sub3A_53 = arith.constant 1023 : i32
    %sub3A_54 = arith.subi %sub3A_53, %add3A_52 : i32
    %get3A_55 = arith.index_cast %sub3A_54 : i32 to index
    %get3A_56 = arith.constant 0 : index
    %get3A_57 = vector.load %arg1[%get3A_55, %get3A_56] : memref<2047x128xf32, #tpu.memory_space<vmem>>, vector<1024x128xf32>
    %swap3A_58 = arith.constant 4 : index
    %swap3A_59 = arith.constant 0 : index
    %swap3A_60 = arith.constant 0 : index
    %swap3A_61 = vector.load %arg2[%swap3A_58, %swap3A_59, %swap3A_60] : memref<8x1024x128xf32, #tpu.memory_space<vmem>>, vector<1x1024x128xf32>
    %swap3A_62 = vector.shape_cast %swap3A_61 : vector<1x1024x128xf32> to vector<1024x128xf32>
    %swap3A_63 = vector.shape_cast %get3A_57 : vector<1024x128xf32> to vector<1x1024x128xf32>
    tpu.vector_store %arg2[%swap3A_58, %swap3A_59, %swap3A_60], %swap3A_63 {strides = array<i32>} : memref<8x1024x128xf32, #tpu.memory_space<vmem>>, vector<1x1024x128xf32>,
    %add3A_64 = arith.constant 5 : i32
    %add3A_65 = arith.addi %add3A_1, %add3A_64 : i32
    %sub3A_66 = arith.constant 1023 : i32
    %sub3A_67 = arith.subi %sub3A_66, %add3A_65 : i32
    %get3A_68 = arith.index_cast %sub3A_67 : i32 to index
    %get3A_69 = arith.constant 0 : index
    %get3A_70 = vector.load %arg1[%get3A_68, %get3A_69] : memref<2047x128xf32, #tpu.memory_space<vmem>>, vector<1024x128xf32>
    %swap3A_71 = arith.constant 5 : index
    %swap3A_72 = arith.constant 0 : index
    %swap3A_73 = arith.constant 0 : index
    %swap3A_74 = vector.load %arg2[%swap3A_71, %swap3A_72, %swap3A_73] : memref<8x1024x128xf32, #tpu.memory_space<vmem>>, vector<1x1024x128xf32>
    %swap3A_75 = vector.shape_cast %swap3A_74 : vector<1x1024x128xf32> to vector<1024x128xf32>
    %swap3A_76 = vector.shape_cast %get3A_70 : vector<1024x128xf32> to vector<1x1024x128xf32>
    tpu.vector_store %arg2[%swap3A_71, %swap3A_72, %swap3A_73], %swap3A_76 {strides = array<i32>} : memref<8x1024x128xf32, #tpu.memory_space<vmem>>, vector<1x1024x128xf32>,
    %add3A_77 = arith.constant 6 : i32
    %add3A_78 = arith.addi %add3A_1, %add3A_77 : i32
    %sub3A_79 = arith.constant 1023 : i32
    %sub3A_80 = arith.subi %sub3A_79, %add3A_78 : i32
    %get3A_81 = arith.index_cast %sub3A_80 : i32 to index
    %get3A_82 = arith.constant 0 : index
    %get3A_83 = vector.load %arg1[%get3A_81, %get3A_82] : memref<2047x128xf32, #tpu.memory_space<vmem>>, vector<1024x128xf32>
    %swap3A_84 = arith.constant 6 : index
    %swap3A_85 = arith.constant 0 : index
    %swap3A_86 = arith.constant 0 : index
    %swap3A_87 = vector.load %arg2[%swap3A_84, %swap3A_85, %swap3A_86] : memref<8x1024x128xf32, #tpu.memory_space<vmem>>, vector<1x1024x128xf32>
    %swap3A_88 = vector.shape_cast %swap3A_87 : vector<1x1024x128xf32> to vector<1024x128xf32>
    %swap3A_89 = vector.shape_cast %get3A_83 : vector<1024x128xf32> to vector<1x1024x128xf32>
    tpu.vector_store %arg2[%swap3A_84, %swap3A_85, %swap3A_86], %swap3A_89 {strides = array<i32>} : memref<8x1024x128xf32, #tpu.memory_space<vmem>>, vector<1x1024x128xf32>,
    %add3A_90 = arith.constant 7 : i32
    %add3A_91 = arith.addi %add3A_1, %add3A_90 : i32
    %sub3A_92 = arith.constant 1023 : i32
    %sub3A_93 = arith.subi %sub3A_92, %add3A_91 : i32
    %get3A_94 = arith.index_cast %sub3A_93 : i32 to index
    %get3A_95 = arith.constant 0 : index
    %get3A_96 = vector.load %arg1[%get3A_94, %get3A_95] : memref<2047x128xf32, #tpu.memory_space<vmem>>, vector<1024x128xf32>
    %swap3A_97 = arith.constant 7 : index
    %swap3A_98 = arith.constant 0 : index
    %swap3A_99 = arith.constant 0 : index
    %swap3A_100 = vector.load %arg2[%swap3A_97, %swap3A_98, %swap3A_99] : memref<8x1024x128xf32, #tpu.memory_space<vmem>>, vector<1x1024x128xf32>
    %swap3A_101 = vector.shape_cast %swap3A_100 : vector<1x1024x128xf32> to vector<1024x128xf32>
    %swap3A_102 = vector.shape_cast %get3A_96 : vector<1024x128xf32> to vector<1x1024x128xf32>
    tpu.vector_store %arg2[%swap3A_97, %swap3A_98, %swap3A_99], %swap3A_102 {strides = array<i32>} : memref<8x1024x128xf32, #tpu.memory_space<vmem>>, vector<1x1024x128xf32>,
    return
  }
  func.func @transform_0(%arg0: i32) -> (i32, i32) {
    %c0_i32 = arith.constant 0 : i32
    %c0_i32_0 = arith.constant 0 : i32
    %c0_i32_1 = arith.constant 0 : i32
    return %c0_i32, %c0_i32_0 : i32, i32
  }
  func.func @transform_1(%arg0: i32) -> (i32, i32, i32) {
    %c0_i32 = arith.constant 0 : i32
    %c0_i32_0 = arith.constant 0 : i32
    %c0_i32_1 = arith.constant 0 : i32
    return %arg0, %c0_i32, %c0_i32_0 : i32, i32, i32
  }
}

</mosaic_0001>

<sc_bundles>
// kernel: kernel.4.cloned.1.call-start
scs
__scs_entry_jumppad:
0x0: {  	(pc) =	sbr.rel $0x88, $3  }
0x1: {  	(tag) =	ssettag $0x0;
	lr =	simm.s32 $0x1  }
0x2: {  	[smem:$0x3FA0] =	sst lr;
	_ =	strace $0xD0000000  }
0x3: {  	_ = 	snop  }
0x4: {  	_ = 	snop  }
0x5: {  	_ = 	snop  }
0x6: {  	_ = 	snop  }
0x7: {  	_ = 	snop  }
__scs_overlays_trampoline_lowered:
0x8: {  	[smem:$0x3FAF] =	sst s0  }
0x9: {  	[smem:$0x3FB0] =	sst s1  }
0xa: {  	[smem:$0x3FB1] =	sst s2  }
0xb: {  	[smem:$0x3FB2] =	sst s3  }
0xc: {  	[smem:$0x3FB3] =	sst s4  }
0xd: {  	[smem:$0x3FB4] =	sst s5  }
0xe: {  	[smem:$0x3FB5] =	sst s6  }
0xf: {  	[smem:$0x3FB6] =	sst s7  }
0x10: {  	[smem:$0x3FB7] =	sst s8  }
0x11: {  	[smem:$0x3FB8] =	sst s9;
	s0 =	simm.s32 @!p0 $0x0  }
0x12: {  	s1 =	sld [smem:$0x3F9E];
	s0 =	simm.s32 @p0 $0x1  }
0x13: {  	[smem:$0x3FB9] =	sst s0;
	s0 =	simm.s32 @!p1 $0x0  }
0x14: {  	s2 =	sld [smem:$0x3F9D];
	s0 =	simm.s32 @p1 $0x1  }
0x15: {  	[smem:$0x3FBA] =	sst s0;
	s0 =	simm.s32 @!p2 $0x0  }
0x16: {  	s3 =	sld [smem:$0x3FDB];
	s0 =	simm.s32 @p2 $0x1  }
0x17: {  	s4 =	simm.s32 $0x1BF5;
	[smem:$0x3FBC] =	sst s0  }
0x18: {  	s0 =	sld [smem:$0x3F9F];
	_ =	swait.ge [sflag:s4], $0x0  }
0x19: {  	s7 =	sld [smem:$0x3FA0]  }
0x1a: {  	s8 =	sadd.s32 $0xFFFFE003, lr  }
0x1b: {  	s9 =	sadd.s32 $0xFFFFFEF7, lr;
	s5 =	simm.s32 $0xFFFFFFFF;
	p2 =	slt.u32 s8, $0xFFFFF086  }
0x1c: {  	p1 =	slt.u32 s9, $0xF7A;
	s5 =	simm.s32 @!p2 $0x0  }
0x1d: {  	s5 =	simm.s32 @p1 $0x1;
	p0 =	seq.s32 s7, s2  }
0x1e: {  	s7 =	smul.u32 @!p0 $0xF7A, s2;
	p2 =	seq.s32 @!p0 s5, $0x0  }
0x1f: {  	s9 =	smul.u32 $0xF7A, s1;
	s8 =	simm.s32 @!p0 $0x1BF5;
	p2 =	por !p2, p0  }
0x20: {  	[sflag:s8] =	ssyncset.s32 @!p0 $0xFFFFF086;
	s6 =	sadd.s32 @!p0 s3, s7;
	s7 =	simm.s32 @!p0 $0x108  }
0x21: {  	s3 =	sadd.s32 s3, s9;
	s6 =	sadd.s32 @!p0 $0x88, s6;
	s7 =	simm.s32 @p2 $0x1082  }
0x22: {  	[simem:s7], [sflag:s8] =	dma.local @!p0 [hbm:s6], $0xF7A  }
0x23: {  	s9 =	sor.u32 $0xD0000000, s2;
	s6 =	simm.s32 $0x108;
	_ =	swait.ge @!p0 [sflag:s8], $0x0  }
0x24: {  	s3 =	sadd.s32 $0x88, s3;
	s6 =	simm.s32 @!p1 $0x1082;
	[sflag:s4] =	ssyncset.s32 $0xFFFFF086  }
0x25: {  	[simem:s6], [sflag:s4] =	dma.local [hbm:s3], $0xF7A  }
0x26: {  	[smem:$0x3FA0] =	sst s1;
	(tag) =	ssettag s2;
	_ =	strace s9  }
0x27: {  	s1 =	sld [smem:$0x3FB0]  }
0x28: {  	s2 =	sld [smem:$0x3FB1]  }
0x29: {  	s4 =	sld [smem:$0x3FB3]  }
0x2a: {  	p0 =	seq.s32 s5, $0x0;
	s5 =	sld [smem:$0x3FB4]  }
0x2b: {  	s6 =	sld [smem:$0x3FB5]  }
0x2c: {  	s7 =	sld [smem:$0x3FB6]  }
0x2d: {  	s3 =	simm.s32 $0x108;
	s8 =	sld [smem:$0x3FB7]  }
0x2e: {  	s3 =	simm.s32 @!p0 $0x1082;
	s9 =	sld [smem:$0x3FB8]  }
0x2f: {  	lr =	sadd.s32 s0, s3;
	s0 =	sld [smem:$0x3FAF]  }
0x30: {  	s3 =	sld [smem:$0x3FB2]  }
0x31: {  	[smem:$0x3FBB] =	sst s10  }
0x32: {  	s10 =	sld [smem:$0x3FB9];
	_ =	sdelay $0x3  }
0x33: {  	p0 =	seq.s32 s10, $0x1;
	s10 =	sld [smem:$0x3FBB];
	_ =	sdelay $0x3  }
0x34: {  	[smem:$0x3FBB] =	sst s10  }
0x35: {  	s10 =	sld [smem:$0x3FBA];
	_ =	sdelay $0x3  }
0x36: {  	p1 =	seq.s32 s10, $0x1;
	s10 =	sld [smem:$0x3FBB];
	_ =	sdelay $0x3  }
0x37: {  	[smem:$0x3FBB] =	sst s10  }
0x38: {  	s10 =	sld [smem:$0x3FBC]  }
0x39: {  	_ = 	snop;
	(pc) =	sbr.ind lr, $3  }
0x3a: {  	_ = 	snop  }
0x3b: {  	_ = 	snop  }
0x3c: {  	p2 =	seq.s32 s10, $0x1;
	s10 =	sld [smem:$0x3FBB]  }
0x3d: {  	_ =	shalt  }
0x3e: {  	_ =	shalt  }
0x3f: {  	_ =	shalt  }
0x40: {  	_ =	shalt  }
0x41: {  	_ =	shalt  }
0x42: {  	_ =	shalt  }
0x43: {  	_ =	shalt  }
0x44: {  	_ =	shalt  }
0x45: {  	_ =	shalt  }
0x46: {  	_ =	shalt  }
0x47: {  	_ =	shalt  }
0x48: {  	_ =	shalt  }
0x49: {  	_ =	shalt  }
0x4a: {  	_ =	shalt  }
0x4b: {  	_ =	shalt  }
0x4c: {  	_ =	shalt  }
0x4d: {  	_ =	shalt  }
0x4e: {  	_ =	shalt  }
0x4f: {  	_ =	shalt  }
0x50: {  	_ =	shalt  }
0x51: {  	_ =	shalt  }
0x52: {  	_ =	shalt  }
0x53: {  	_ =	shalt  }
0x54: {  	_ =	shalt  }
0x55: {  	_ =	shalt  }
0x56: {  	_ =	shalt  }
0x57: {  	_ =	shalt  }
0x58: {  	_ =	shalt  }
0x59: {  	_ =	shalt  }
0x5a: {  	_ =	shalt  }
0x5b: {  	_ =	shalt  }
0x5c: {  	_ =	shalt  }
0x5d: {  	_ =	shalt  }
0x5e: {  	_ =	shalt  }
0x5f: {  	_ =	shalt  }
0x60: {  	_ =	shalt  }
0x61: {  	_ =	shalt  }
0x62: {  	_ =	shalt  }
0x63: {  	_ =	shalt  }
0x64: {  	_ =	shalt  }
0x65: {  	_ =	shalt  }
0x66: {  	_ =	shalt  }
0x67: {  	_ =	shalt  }
0x68: {  	_ =	shalt  }
0x69: {  	_ =	shalt  }
0x6a: {  	_ =	shalt  }
0x6b: {  	_ =	shalt  }
0x6c: {  	_ =	shalt  }
0x6d: {  	_ =	shalt  }
0x6e: {  	_ =	shalt  }
0x6f: {  	_ =	shalt  }
0x70: {  	_ =	shalt  }
0x71: {  	_ =	shalt  }
0x72: {  	_ =	shalt  }
0x73: {  	_ =	shalt  }
0x74: {  	_ =	shalt  }
0x75: {  	_ =	shalt  }
0x76: {  	_ =	shalt  }
0x77: {  	_ =	shalt  }
0x78: {  	_ =	shalt  }
0x79: {  	_ =	shalt  }
0x7a: {  	_ =	shalt  }
0x7b: {  	_ =	shalt  }
0x7c: {  	_ =	shalt  }
0x7d: {  	_ =	shalt  }
0x7e: {  	_ =	shalt  }
0x7f: {  	_ =	shalt  }
0x80: {  	_ =	shalt  }
0x81: {  	_ =	shalt  }
0x82: {  	_ =	shalt  }
0x83: {  	_ =	shalt  }
0x84: {  	_ =	shalt  }
0x85: {  	_ =	shalt  }
0x86: {  	_ =	shalt  }
0x87: {  	_ =	shalt  }
.Lfunc_end0:
.L_simem_size_0:
called_computation_lowered:
.L_overlay_start_0:
0x88: {  	s2 =	sld [smem:$0x3FD9]  }
0x89: {  	s3 =	sld [smem:$0x3FFE];
	_ =	sdelay $0x1  }
0x8a: {  	s1 =	srdreg.scid  }
0x8b: {  	s0 =	sand.u32 $0x1, s1  }
0x8c: {  	s17 =	sshll.u32 s0, $0xA;
	s2 =	sadd.s32 s3, s2  }
0x8d: {  	s2 =	sadd.s32 s2, s17  }
0x8e: {  	[smem:$0x3FC7] =	sst s2  }
0x8f: {  	_ = 	snop  }
0x90: {  	s2 =	sld [smem:$0x3FC9];
	(tm) =	ssettm $0x1  }
0x91: {  	s18 =	sld [smem:$0x3FFB];
	_ =	sdelay $0x3  }
0x92: {  	_ =	strace s18  }
0x93: {  	s3 =	sld [smem:$0x3FFC];
	_ =	sdelay $0x3  }
0x94: {  	_ =	strace s3  }
0x95: {  	s3 =	sld [smem:$0x3FFD];
	_ =	sdelay $0x3  }
0x96: {  	_ =	strace s3  }
0x97: {  	_ =	strace $0x8FFFFFFF  }
0x98: {  	s19 =	sld [smem:$0x3FDB];
	_ =	sdelay $0x1  }
0x99: {  	s4 =	simm.s32 $_scs_section_size  }
0x9a: {  	s5 =	simm.s32 $_size__tile_overlayer_lowered;
	s6 =	simm.s32 $_tile_overlayer_lowered  }
0x9b: {  	s22 =	simm.s32 $0x1BFF;
	s21 =	sshll.u32 s6, $0x1;
	s3 =	sadd.s32 s4, s19  }
0x9c: {  	s7 =	simm.s32 $0x0;
	s20 =	sshll.u32 s5, $0x1;
	s5 =	sadd.s32 s21, s3  }
0x9d: {  	[timem:s7], [sflag:s22] =	dma.local [hbm:s5], s20  }
0x9e: {  	_ =	swait.ge [sflag:s22], s20  }
0x9f: {  	s4 =	ssub.s32 $0x0, s20;
	[sflag:s22] =	ssyncset.done $0x0  }
0xa0: {  	[sflag:s22] =	ssyncadd.s32 s4;
	_ =	sdelay $0x1  }
0xa1: {  	s23 =	simm.s32 $0x1B8B  }
0xa2: {  	_ =	swait.ge [sflag:s23], $0x1  }
0xa3: {  	[sflag:s23] =	ssyncset.done $0x0  }
0xa4: {  	s25 =	simm.s32 $0x1B8E;
	s24 =	sld [smem:$0x3FFE];
	[sflag:s23] =	ssyncadd.s32 $0xFFFFFFFF  }
0xa5: {  	s26 =	simm.s32 $execute0_lowered;
	[smem:$0x3FD2] =	sst s25  }
0xa6: {  	s5 =	sshll.u32 s26, $0x1;
	_ =	strace $0x80000046;
	[dreg:$0x1] =	wrdreg $0xFFFFFFFF  }
0xa7: {  	s28 =	simm.s32 $_size_execute0_lowered;
	s3 =	sadd.s32 s3, s5;
	[dreg:$0x0] =	wrdreg $0x0  }
0xa8: {  	s5 =	sshll.u32 s28, $0x1;
	[dreg:$0x2] =	wrdreg s3  }
0xa9: {  	[dreg:$0x3] =	wrdreg s5  }
0xaa: {  	[dreg:$0x4] =	wrdreg $0xC0  }
0xab: {  	_ =	task [dreg:s7], $0x5FFFF  }
0xac: {  	[dreg:$0x1] =	wrdreg $0xFFFFFFFF  }
0xad: {  	[dreg:$0x0] =	wrdreg $0x60  }
0xae: {  	[dreg:$0x2] =	wrdreg s2  }
0xaf: {  	[dreg:$0x3] =	wrdreg s24  }
0xb0: {  	[dreg:$0x4] =	wrdreg $0x0  }
0xb1: {  	[dreg:$0x5] =	wrdreg $0x9  }
0xb2: {  	_ =	task.clear_ibuf [dreg:s7], $0x6FFFF;
	_ =	strace $0x90000046  }
0xb3: {  	s29 =	simm.s32 $0x9;
	_ =	strace $0x80000048  }
0xb4: {  	_ =	swait.ge [sflag:s29], $0x1  }
0xb5: {  	[sflag:s29] =	ssyncadd.s32 $0xFFFFFFFF  }
0xb6: {  	_ =	strace $0x90000048  }
0xb7: {  	_ =	sfence  }
0xb8: {  	s30 =	sld [smem:$0x0];
	_ =	sdelay $0x2  }
0xb9: {  	s31 =	sshll.u32 s1, $0xD;
	s1 =	sshrl.u32 s1, $0x2  }
0xba: {  	s3 =	sand.u32 $0x4000, s31;
	s1 =	sadd.s32 s1, s30  }
0xbb: {  	s0 =	sor.u32 s3, s0;
	s1 =	sshll.u32 s1, $0x11  }
0xbc: {  	s0 =	sor.u32 s1, s0  }
0xbd: {  	s0 =	sadd.s32 $0x8F2B, s0  }
0xbe: {  	[sflag:s0] =	ssyncadd.remote.s32 $0x1  }
0xbf: {  	_ =	sfence.sel $0xFFFF  }
0xc0: {  	[dreg:$0x0] =	wrdreg $0xFFFFFFFF;
	(pc) =	sbr.abs _section_cstart, $3  }
0xc1: {  	[dreg:$0x1] =	wrdreg $0xFFFFFFFF  }
0xc2: {  	_ =	task.clear_ibuf [dreg:s7], $0x2FFFF;
	_ =	strace $0x9FFFFFFF  }
0xc3: {  	(tm) =	ssettm $0x7FFFFFFF  }
tec
execute0_lowered:
.L_overlay_start_1:
0x0: {  	(tag) =	ssettag $0x1  }
0x1: {  	s0 =	rddreg [dreg:$0x0]  }
0x2: {  	s1 =	rddreg [dreg:$0x1]  }
0x3: {  	s5 =	rddreg [dreg:$0x2];
	s2 =	srdreg.scid  }
0x4: {  	s6 =	stileid.u32;
	s3 =	simm.s32 $0x0;
	[dreg:$0x4] =	wrdreg s0  }
0x5: {  	s0 =	rddreg [dreg:$0x3];
	s24 =	sand.u32 $0x1, s2;
	s23 =	sshll.u32 s6, $0x1  }
0x6: {  	[smem:$0x7FF] =	sst s3;
	s8 =	sadd.s32 $0x600, s1;
	s7 =	sor.u32 s24, s23  }
0x7: {  	p0 =	sne.s32 s6, $0x0;
	s26 =	sshll.u32 s6, $0x6;
	s2 =	smul.u32 $0xFFFFEA00, s7  }
0x8: {  	_ =	strace $0x80000047;
	s1 =	simm.s32 @!p0 $0x1;
	s3 =	simm.s32 @!p0 $0x1C01  }
0x9: {  	s4 =	rddreg [dreg:$0x4];
	s10 =	sshra.s32 s2, $0x2;
	s2 =	sshrl.u32 @!p0 s5, $0x3  }
0xa: {  	[spmem:s2], [sflag:s3] =	dma.local @!p0 [hbm:s4], $0x7FF0  }
0xb: {  	s6 =	simm.s32 $0x1;
	s9 =	smul.u32 $0x2C000, s7;
	_ =	swait.ge @!p0 [sflag:s1], $0x7FF0  }
0xc: {  	s25 =	smul.u32 $0x160000, s7;
	s28 =	sadd.s32 s10, s5;
	[sflag:s1] =	ssyncset.done @!p0 $0x0  }
0xd: {  	s7 =	sor.u32 $0x1C01, s26;
	s5 =	sadd.s32 $0x1FF80, s28;
	[sflag:s1] =	ssyncadd.s32 @!p0 $0xFFFF8010  }
0xe: {  	s4 =	sadd.s32 s8, s9;
	s5 =	sshrl.u32 s5, $0x3;
	[bflag:$0x0] =	sbarrier.arrive $0xFFFF  }
0xf: {  	[hbm:s4], [sflag:s7] =	dma.local [spmem:s5], $0x4000  }
0x10: {  	s9 =	sshrl.u32 s25, $0x3;
	_ =	swait.ge [sflag:s6], $0x4000  }
0x11: {  	s26 =	sadd.s32 s8, s9;
	s30 =	sadd.s32 $0x1FF00, s28;
	[sflag:s6] =	ssyncset.done $0x0  }
0x12: {  	s8 =	sadd.s32 $0x4000, s26;
	s9 =	sshrl.u32 s30, $0x3;
	[sflag:s6] =	ssyncadd.s32 $0xFFFFC000  }
0x13: {  	[hbm:s8], [sflag:s7] =	dma.local [spmem:s9], $0x4000  }
0x14: {  	_ =	swait.ge [sflag:s6], $0x4000  }
0x15: {  	s11 =	sadd.s32 $0x1FE80, s28;
	[sflag:s6] =	ssyncset.done $0x0  }
0x16: {  	s10 =	sadd.s32 $0x8000, s26;
	s11 =	sshrl.u32 s11, $0x3;
	[sflag:s6] =	ssyncadd.s32 $0xFFFFC000  }
0x17: {  	[hbm:s10], [sflag:s7] =	dma.local [spmem:s11], $0x4000  }
0x18: {  	_ =	swait.ge [sflag:s6], $0x4000  }
0x19: {  	s13 =	sadd.s32 $0x1FE00, s28;
	[sflag:s6] =	ssyncset.done $0x0  }
0x1a: {  	s12 =	sadd.s32 $0xC000, s26;
	s13 =	sshrl.u32 s13, $0x3;
	[sflag:s6] =	ssyncadd.s32 $0xFFFFC000  }
0x1b: {  	[hbm:s12], [sflag:s7] =	dma.local [spmem:s13], $0x4000  }
0x1c: {  	_ =	swait.ge [sflag:s6], $0x4000  }
0x1d: {  	s15 =	sadd.s32 $0x1FD80, s28;
	[sflag:s6] =	ssyncset.done $0x0  }
0x1e: {  	s14 =	sadd.s32 $0x10000, s26;
	s15 =	sshrl.u32 s15, $0x3;
	[sflag:s6] =	ssyncadd.s32 $0xFFFFC000  }
0x1f: {  	[hbm:s14], [sflag:s7] =	dma.local [spmem:s15], $0x4000  }
0x20: {  	_ =	swait.ge [sflag:s6], $0x4000  }
0x21: {  	s17 =	sadd.s32 $0x1FD00, s28;
	[sflag:s6] =	ssyncset.done $0x0  }
0x22: {  	s16 =	sadd.s32 $0x14000, s26;
	s17 =	sshrl.u32 s17, $0x3;
	[sflag:s6] =	ssyncadd.s32 $0xFFFFC000  }
0x23: {  	[hbm:s16], [sflag:s7] =	dma.local [spmem:s17], $0x4000  }
0x24: {  	_ =	swait.ge [sflag:s6], $0x4000  }
0x25: {  	s19 =	sadd.s32 $0x1FC80, s28;
	[sflag:s6] =	ssyncset.done $0x0  }
0x26: {  	s18 =	sadd.s32 $0x18000, s26;
	s19 =	sshrl.u32 s19, $0x3;
	[sflag:s6] =	ssyncadd.s32 $0xFFFFC000  }
0x27: {  	[hbm:s18], [sflag:s7] =	dma.local [spmem:s19], $0x4000  }
0x28: {  	_ =	swait.ge [sflag:s6], $0x4000  }
0x29: {  	s21 =	sadd.s32 $0x1FC00, s28;
	[sflag:s6] =	ssyncset.done $0x0  }
0x2a: {  	s20 =	sadd.s32 $0x1C000, s26;
	s21 =	sshrl.u32 s21, $0x3;
	[sflag:s6] =	ssyncadd.s32 $0xFFFFC000  }
0x2b: {  	[hbm:s20], [sflag:s7] =	dma.local [spmem:s21], $0x4000  }
0x2c: {  	s29 =	ssub.s32 $0x2, s24;
	s22 =	sadd.s32 $0x1FB80, s28;
	_ =	swait.ge [sflag:s6], $0x4000  }
0x2d: {  	s22 =	sshrl.u32 s22, $0x3;
	s30 =	sshrl.u32 s29, $0x1;
	[sflag:s6] =	ssyncset.done $0x0  }
0x2e: {  	s23 =	sadd.s32 $0x20000, s26;
	s29 =	ssub.s32 s29, s30;
	[sflag:s6] =	ssyncadd.s32 $0xFFFFC000  }
0x2f: {  	[hbm:s23], [sflag:s7] =	dma.local [spmem:s22], $0x4000  }
0x30: {  	s31 =	sadd.s32 $0x1FB00, s28;
	s29 =	smax.u32 s29, $0x1;
	_ =	swait.ge [sflag:s6], $0x4000  }
0x31: {  	s24 =	sshrl.u32 s31, $0x3;
	s29 =	sadd.s32 $0xFFFFFFFF, s29;
	[sflag:s6] =	ssyncset.done $0x0  }
0x32: {  	s25 =	sadd.s32 $0x24000, s26;
	p1 =	sne.s32 s29, $0x0;
	[sflag:s6] =	ssyncadd.s32 $0xFFFFC000  }
0x33: {  	[hbm:s25], [sflag:s7] =	dma.local [spmem:s24], $0x4000  }
.Ltmp0:
0x34: {  	_ =	swait.ge [sflag:s6], $0x4000;
	(pc) =	sbr.rel @!p1 .LBB2_2-.Ltmp0, $4  }
0x35: {  	s28 =	sadd.s32 $0x1FA80, s28;
	[sflag:s6] =	ssyncset.done $0x0  }
0x36: {  	s26 =	sadd.s32 $0x28000, s26;
	s28 =	sshrl.u32 s28, $0x3;
	[sflag:s6] =	ssyncadd.s32 $0xFFFFC000  }
0x37: {  	[hbm:s26], [sflag:s7] =	dma.local [spmem:s28], $0x4000  }
0x38: {  	_ =	swait.ge [sflag:s6], $0x4000  }
.LBB2_1:
0x39: {  	[sflag:s6] =	ssyncset.done $0x0  }
0x3a: {  	s30 =	rddreg [dreg:$0x4];
	[sflag:s6] =	ssyncadd.s32 $0xFFFFC000  }
0x3b: {  	[spmem:s2], [sflag:s3] =	dma.local @!p0 [hbm:s30], $0x7FF0  }
0x3c: {  	_ =	swait.ge @!p0 [sflag:s1], $0x7FF0  }
0x3d: {  	[sflag:s1] =	ssyncset.done @!p0 $0x0  }
0x3e: {  	[sflag:s1] =	ssyncadd.s32 @!p0 $0xFFFF8010  }
0x3f: {  	[bflag:$0x0] =	sbarrier.arrive $0xFFFF  }
0x40: {  	[hbm:s4], [sflag:s7] =	dma.local [spmem:s5], $0x4000  }
0x41: {  	_ =	swait.ge [sflag:s6], $0x4000  }
0x42: {  	[sflag:s6] =	ssyncset.done $0x0  }
0x43: {  	[sflag:s6] =	ssyncadd.s32 $0xFFFFC000  }
0x44: {  	[hbm:s8], [sflag:s7] =	dma.local [spmem:s9], $0x4000  }
0x45: {  	_ =	swait.ge [sflag:s6], $0x4000  }
0x46: {  	[sflag:s6] =	ssyncset.done $0x0  }
0x47: {  	[sflag:s6] =	ssyncadd.s32 $0xFFFFC000  }
0x48: {  	[hbm:s10], [sflag:s7] =	dma.local [spmem:s11], $0x4000  }
0x49: {  	_ =	swait.ge [sflag:s6], $0x4000  }
0x4a: {  	[sflag:s6] =	ssyncset.done $0x0  }
0x4b: {  	[sflag:s6] =	ssyncadd.s32 $0xFFFFC000  }
0x4c: {  	[hbm:s12], [sflag:s7] =	dma.local [spmem:s13], $0x4000  }
0x4d: {  	_ =	swait.ge [sflag:s6], $0x4000  }
0x4e: {  	[sflag:s6] =	ssyncset.done $0x0  }
0x4f: {  	[sflag:s6] =	ssyncadd.s32 $0xFFFFC000  }
0x50: {  	[hbm:s14], [sflag:s7] =	dma.local [spmem:s15], $0x4000  }
0x51: {  	_ =	swait.ge [sflag:s6], $0x4000  }
0x52: {  	[sflag:s6] =	ssyncset.done $0x0  }
0x53: {  	[sflag:s6] =	ssyncadd.s32 $0xFFFFC000  }
0x54: {  	[hbm:s16], [sflag:s7] =	dma.local [spmem:s17], $0x4000  }
0x55: {  	_ =	swait.ge [sflag:s6], $0x4000  }
0x56: {  	[sflag:s6] =	ssyncset.done $0x0  }
0x57: {  	[sflag:s6] =	ssyncadd.s32 $0xFFFFC000  }
0x58: {  	[hbm:s18], [sflag:s7] =	dma.local [spmem:s19], $0x4000  }
0x59: {  	_ =	swait.ge [sflag:s6], $0x4000  }
0x5a: {  	[sflag:s6] =	ssyncset.done $0x0  }
0x5b: {  	[sflag:s6] =	ssyncadd.s32 $0xFFFFC000  }
0x5c: {  	[hbm:s20], [sflag:s7] =	dma.local [spmem:s21], $0x4000  }
0x5d: {  	_ =	swait.ge [sflag:s6], $0x4000  }
0x5e: {  	[sflag:s6] =	ssyncset.done $0x0  }
0x5f: {  	[sflag:s6] =	ssyncadd.s32 $0xFFFFC000  }
0x60: {  	[hbm:s23], [sflag:s7] =	dma.local [spmem:s22], $0x4000  }
0x61: {  	_ =	swait.ge [sflag:s6], $0x4000  }
0x62: {  	s29 =	sadd.s32 $0xFFFFFFFF, s29;
	[sflag:s6] =	ssyncset.done $0x0  }
0x63: {  	p1 =	sne.s32 s29, $0x0;
	[sflag:s6] =	ssyncadd.s32 $0xFFFFC000  }
0x64: {  	[hbm:s25], [sflag:s7] =	dma.local [spmem:s24], $0x4000  }
.Ltmp1:
0x65: {  	_ =	swait.ge [sflag:s6], $0x4000;
	(pc) =	sbr.rel @p1 .LBB2_1-.Ltmp1, $4  }
0x66: {  	[sflag:s6] =	ssyncset.done $0x0  }
0x67: {  	[sflag:s6] =	ssyncadd.s32 $0xFFFFC000  }
0x68: {  	[hbm:s26], [sflag:s7] =	dma.local [spmem:s28], $0x4000  }
0x69: {  	_ =	swait.ge [sflag:s6], $0x4000  }
.LBB2_2:
0x6a: {  	[sflag:s6] =	ssyncset.done $0x0  }
0x6b: {  	[sflag:s6] =	ssyncadd.s32 $0xFFFFC000  }
0x6c: {  	_ =	sfence.sel $0x180000  }
0x6d: {  	[bflag:$0x0] =	sbarrier.arrive $0xFFFF  }
0x6e: {  	_ =	strace $0x90000047  }
0x6f: {  	s0 =	sadd.s32 @!p0 $0x100000, s0;
	[bflag:$0x2] =	sbarrier.arrive $0xFFFF  }
0x70: {  	[sflag:s0] =	ssyncadd.tile.s32 @!p0 $0x1;
	_ =	shalt  }
.Lfunc_end2:
_tile_overlayer_lowered:
.L_overlay_start_2:
0x71: {  	(tag) =	ssettag $0x2  }
0x72: {  	s0 =	rddreg [dreg:$0x0];
	s2 =	stileid.u32  }
0x73: {  	s1 =	rddreg [dreg:$0x1];
	p0 =	sne.s32 s2, $0x0  }
0x74: {  	s3 =	rddreg [dreg:$0x2];
	[bflag:$0x3] =	sbarrier.arrive $0xFFFF;
	s2 =	simm.s32 @!p0 $0x1C01  }
0x75: {  	[timem:s3], [sflag:s2] =	dma.local @!p0 [hbm:s0], s1  }
0x76: {  	s0 =	simm.s32 @!p0 $0x1  }
0x77: {  	_ =	swait.ge @!p0 [sflag:s0], s1  }
0x78: {  	s1 =	ssub.s32 @!p0 $0x0, s1;
	[sflag:s0] =	ssyncset.done @!p0 $0x0  }
0x79: {  	[sflag:s0] =	ssyncadd.s32 @!p0 s1  }
0x7a: {  	[bflag:$0x3] =	sbarrier.arrive $0xFFFF  }
0x7b: {  	_ =	shalt  }

</sc_bundles>
